<compile_context>
chip_gen: v7x
topology: tpu7x:2x2x1
jax: 0.10.2.dev20260603
libtpu: 0.0.44.dev20260713+nightly
codegen_flags: <defaults>
</compile_context>

<pallas_src>
import functools

import jax
import jax.numpy as jnp
from jax import lax
from jax.experimental import pallas as pl
from jax.experimental.pallas import tpu as pltpu
from jax.experimental.pallas import tpu_sc as plsc


def _make_sc_kernel(B, F, b_per_w, NC):
    mesh = plsc.VectorSubcoreMesh(core_axis_name="c", subcore_axis_name="s")

    @functools.partial(
        pl.kernel,
        mesh=mesh,
        out_type=jax.ShapeDtypeStruct((B,), jnp.float32),
        scratch_types=[
            pltpu.VMEM((F, b_per_w), jnp.int32),
            pltpu.VMEM((F, b_per_w), jnp.float32),
            pltpu.VMEM((b_per_w,), jnp.float32),
            pltpu.VMEM((16,), jnp.float32),
            pltpu.SemaphoreType.DMA,
            pltpu.SemaphoreType.DMA,
            pltpu.SemaphoreType.DMA,
        ],
    )
    def sc_k(xT_hbm, table_hbm, bias_hbm, out_hbm, idx_v, rows_v, out_v,
             bias_v, sem, bsem, csem):
        wid = lax.axis_index("s") * NC + lax.axis_index("c")
        base = wid * b_per_w
        tbl = table_hbm.at[0]
        pltpu.sync_copy(xT_hbm.at[:, pl.ds(base, b_per_w)], idx_v)

        half = F // 2

        def fire(f, grp_sem):
            pltpu.async_copy(tbl.at[idx_v.at[f]], rows_v.at[f], grp_sem)

        groups = [(0, half, sem), (half, F, bsem)]
        for lo, hi, gs in groups:
            lax.fori_loop(lo, hi, lambda f, _, gs=gs: (fire(f, gs), 0)[1], 0)
        bias_cp = pltpu.async_copy(bias_hbm, bias_v.at[pl.ds(0, 1)], csem)

        n_ch = b_per_w // 16

        def drain(grp_sem, n):
            def body(_, carry):
                pltpu.make_async_copy(
                    tbl.at[idx_v.at[0]], rows_v.at[0], grp_sem
                ).wait()
                return carry

            lax.fori_loop(0, n, body, 0)

        def accumulate(lo, hi, accs):
            def body(f, accs):
                return tuple(
                    accs[c] + rows_v[f, pl.ds(c * 16, 16)]
                    for c in range(n_ch)
                )

            return lax.fori_loop(lo, hi, body, accs)

        zeros = jnp.zeros((16,), jnp.float32)
        accs = (zeros,) * n_ch
        for lo, hi, gs in groups:
            drain(gs, hi - lo)
            accs = accumulate(lo, hi, accs)
        bias_cp.wait()
        b = bias_v[...][0]
        for c in range(n_ch):
            out_v[pl.ds(c * 16, 16)] = accs[c] + b
        pltpu.sync_copy(out_v, out_hbm.at[pl.ds(base, b_per_w)])

    return sc_k


def kernel(x, fc_weight, bias):
    B, F = x.shape
    info = plsc.get_sparse_core_info()
    NC, NS = info.num_cores, info.num_subcores
    NW = NC * NS
    b_per_w = B // NW

    xT = x.astype(jnp.int32).T
    table = fc_weight.reshape(1, -1)

    sc_k = _make_sc_kernel(B, F, b_per_w, NC)
    out = sc_k(xT, table, bias)
    return out.reshape(B, 1)

# --- scband reference (transcript-rebuilt; emitter-appended) ---
"""Pipeline reference for scband-features-linear-81406810128852 (READ-ONLY COPY).

The authoritative reference and input builder live on the scoring server;
editing this copy changes nothing except your own understanding.
"""

import jax, jax.numpy as jnp
import numpy as np

NUM_EMB = 2600000
OUT_DIM = 1
BATCH = 4096
N_FIELDS = 26

def setup_inputs(seed: int = 0) -> dict:
    key = jax.random.key(seed)
    k1, k2 = jax.random.split(key)
    x = jax.random.randint(k1, (BATCH, N_FIELDS), 0, NUM_EMB, dtype=jnp.int64 if jax.config.read('jax_enable_x64') else jnp.int32)
    # Embedding weight (torch nn.Embedding default init: N(0,1))
    fc_weight = jax.random.normal(k2, (NUM_EMB, OUT_DIM), dtype=jnp.float32)
    bias = jnp.zeros((OUT_DIM,), dtype=jnp.float32)
    return {"x": x, "fc_weight": fc_weight, "bias": bias}

def reference(x, fc_weight, bias):
    # torch: torch.sum(self.fc(x), dim=1) + self.bias
    emb = jnp.take(fc_weight, x, axis=0)  # [B, F, OUT_DIM]
    return jnp.sum(emb, axis=1) + bias     # [B, OUT_DIM]

if __name__ == "__main__":
    import jax
    _d = setup_inputs()
    print(jax.jit(kernel)(*tuple(_d.values())))

</pallas_src>

<mosaic_0001>
#map = affine_map<(d0, d1) -> (0, 0)>
#map1 = affine_map<(d0, d1) -> (0)>
module attributes {stable_mosaic.version = 14 : i64} {
  func.func @sc_k(%arg0: i32, %arg1: i32, %arg2: memref<26x4096xi32, #tpu.memory_space<hbm>>, %arg3: memref<1x2600000xf32, #tpu.memory_space<hbm>>, %arg4: memref<1xf32, #tpu.memory_space<hbm>>, %arg5: memref<4096xf32, #tpu.memory_space<hbm>>, %arg6: memref<26x128xi32, #tpu.memory_space<vmem>>, %arg7: memref<26x128xf32, #tpu.memory_space<vmem>>, %arg8: memref<128xf32, #tpu.memory_space<vmem>>, %arg9: memref<16xf32, #tpu.memory_space<vmem>>, %arg10: memref<!tpu.dma_semaphore, #tpu.memory_space<semaphore_mem>>, %arg11: memref<!tpu.dma_semaphore, #tpu.memory_space<semaphore_mem>>, %arg12: memref<!tpu.dma_semaphore, #tpu.memory_space<semaphore_mem>>) attributes {dimension_semantics = [#tpu.dimension_semantics<core_parallel>, #tpu.dimension_semantics<subcore_parallel>], iteration_bounds = array<i64: 2, 16>, scalar_prefetch = 0 : i64, scratch_operands = 7 : i64, tpu.core_type = #tpu.core_type<sc_vector_subcore>, window_params = [{transform_indices = #map}, {transform_indices = #map}, {transform_indices = #map1}, {transform_indices = #map1}]} {
    %mul3A = arith.constant 2 : i32
    %mul3A_0 = arith.muli %arg1, %mul3A : i32
    %add3A = arith.addi %mul3A_0, %arg0 : i32
    %mul3A_1 = arith.constant 128 : i32
    %mul3A_2 = arith.muli %add3A, %mul3A_1 : i32
    "tpu.region"() ({
      %run_scoped3A = tpu.sem_alloc : memref<!tpu.dma_semaphore, #tpu.memory_space<semaphore_mem>>
      %dma_start3A_100 = arith.constant 0 : i32
      %dma_start3A_101 = tpu.memref_slice %arg2[%dma_start3A_100, %mul3A_2] : memref<26x4096xi32, #tpu.memory_space<hbm>> -> memref<26x128xi32, #tpu.memory_space<hbm>>
      %dma_start3A_102 = arith.constant 0 : i32
      %dma_start3A_103 = tpu.memref_slice %arg2[%dma_start3A_102, %mul3A_2] : memref<26x4096xi32, #tpu.memory_space<hbm>> -> memref<26x128xi32, #tpu.memory_space<hbm>>
      tpu.enqueue_dma source(%dma_start3A_103 : memref<26x128xi32, #tpu.memory_space<hbm>>) target(%arg6 : memref<26x128xi32, #tpu.memory_space<vmem>>) target_semaphore(%run_scoped3A : memref<!tpu.dma_semaphore, #tpu.memory_space<semaphore_mem>>)
      %dma_wait3A_104 = arith.constant 0 : i32
      %dma_wait3A_105 = tpu.memref_slice %arg2[%dma_wait3A_104, %mul3A_2] : memref<26x4096xi32, #tpu.memory_space<hbm>> -> memref<26x128xi32, #tpu.memory_space<hbm>>
      %dma_wait3A_106 = arith.constant 0 : i32
      %dma_wait3A_107 = tpu.memref_slice %arg2[%dma_wait3A_106, %mul3A_2] : memref<26x4096xi32, #tpu.memory_space<hbm>> -> memref<26x128xi32, #tpu.memory_space<hbm>>
      tpu.wait_dma2 semaphore(%run_scoped3A : memref<!tpu.dma_semaphore, #tpu.memory_space<semaphore_mem>>) src(%dma_wait3A_107 : memref<26x128xi32, #tpu.memory_space<hbm>>) dst(%arg6 : memref<26x128xi32, #tpu.memory_space<vmem>>)
      tpu.yield
    }) : () -> ()
    %scan3A = arith.constant 0 : i32
    %scan3A_3 = arith.constant 0 : i32
    %scan3A_4 = arith.constant 0 : i32
    %scan3A_5 = arith.constant 13 : i32
    %scan3A_6 = arith.addi %scan3A_4, %scan3A_5 : i32
    %scan3A_7 = arith.constant 1 : i32
    %scan3A_8 = scf.for %scan3A_100 = %scan3A_4 to %scan3A_6 step %scan3A_7 iter_args(%scan3A_101 = %scan3A_3) -> (i32)  : i32 {
      %dma_start3A_102 = arith.constant 0 : i32
      %dma_start3A_103 = tpu.memref_slice %arg7[%scan3A_100, %dma_start3A_102] : memref<26x128xf32, #tpu.memory_space<vmem>> -> memref<1x128xf32, #tpu.memory_space<vmem>>
      %dma_start3A_104 = tpu.memref_squeeze %dma_start3A_103 : memref<1x128xf32, #tpu.memory_space<vmem>> -> memref<128xf32, #tpu.memory_space<vmem>>
      %dma_start3A_105 = arith.constant 0 : i32
      %dma_start3A_106 = tpu.memref_slice %arg6[%scan3A_100, %dma_start3A_105] : memref<26x128xi32, #tpu.memory_space<vmem>> -> memref<1x128xi32, #tpu.memory_space<vmem>>
      %dma_start3A_107 = tpu.memref_squeeze %dma_start3A_106 : memref<1x128xi32, #tpu.memory_space<vmem>> -> memref<128xi32, #tpu.memory_space<vmem>>
      %dma_start3A_108 = arith.constant 0 : i32
      %dma_start3A_109 = tpu.memref_slice %arg3[%scan3A, %dma_start3A_108] : memref<1x2600000xf32, #tpu.memory_space<hbm>> -> memref<1x2600000xf32, #tpu.memory_space<hbm>>
      %dma_start3A_110 = tpu.memref_squeeze %dma_start3A_109 : memref<1x2600000xf32, #tpu.memory_space<hbm>> -> memref<2600000xf32, #tpu.memory_space<hbm>>
      %dma_start3A_111 = arith.constant 0 : i32
      %dma_start3A_112 = tpu.memref_slice %dma_start3A_110[%dma_start3A_111] : memref<2600000xf32, #tpu.memory_space<hbm>> -> memref<2600000xf32, #tpu.memory_space<hbm>>
      tpu.enqueue_indirect_dma source(%dma_start3A_112 : memref<2600000xf32, #tpu.memory_space<hbm>>) target(%dma_start3A_104 : memref<128xf32, #tpu.memory_space<vmem>>) offsets(%dma_start3A_107 : memref<128xi32, #tpu.memory_space<vmem>>) semaphore(%arg10 : memref<!tpu.dma_semaphore, #tpu.memory_space<semaphore_mem>>)
      %scan3A_113 = arith.constant 0 : i32
      scf.yield %scan3A_113 : i32
    }
    %scan3A_9 = arith.constant 13 : i32
    %scan3A_10 = arith.constant 0 : i32
    %scan3A_11 = arith.constant 0 : i32
    %scan3A_12 = arith.constant 13 : i32
    %scan3A_13 = arith.constant 13 : i32
    %scan3A_14 = arith.addi %scan3A_12, %scan3A_13 : i32
    %scan3A_15 = arith.constant 1 : i32
    %scan3A_16 = scf.for %scan3A_100 = %scan3A_12 to %scan3A_14 step %scan3A_15 iter_args(%scan3A_101 = %scan3A_11) -> (i32)  : i32 {
      %dma_start3A_102 = arith.constant 0 : i32
      %dma_start3A_103 = tpu.memref_slice %arg7[%scan3A_100, %dma_start3A_102] : memref<26x128xf32, #tpu.memory_space<vmem>> -> memref<1x128xf32, #tpu.memory_space<vmem>>
      %dma_start3A_104 = tpu.memref_squeeze %dma_start3A_103 : memref<1x128xf32, #tpu.memory_space<vmem>> -> memref<128xf32, #tpu.memory_space<vmem>>
      %dma_start3A_105 = arith.constant 0 : i32
      %dma_start3A_106 = tpu.memref_slice %arg6[%scan3A_100, %dma_start3A_105] : memref<26x128xi32, #tpu.memory_space<vmem>> -> memref<1x128xi32, #tpu.memory_space<vmem>>
      %dma_start3A_107 = tpu.memref_squeeze %dma_start3A_106 : memref<1x128xi32, #tpu.memory_space<vmem>> -> memref<128xi32, #tpu.memory_space<vmem>>
      %dma_start3A_108 = arith.constant 0 : i32
      %dma_start3A_109 = tpu.memref_slice %arg3[%scan3A_10, %dma_start3A_108] : memref<1x2600000xf32, #tpu.memory_space<hbm>> -> memref<1x2600000xf32, #tpu.memory_space<hbm>>
      %dma_start3A_110 = tpu.memref_squeeze %dma_start3A_109 : memref<1x2600000xf32, #tpu.memory_space<hbm>> -> memref<2600000xf32, #tpu.memory_space<hbm>>
      %dma_start3A_111 = arith.constant 0 : i32
      %dma_start3A_112 = tpu.memref_slice %dma_start3A_110[%dma_start3A_111] : memref<2600000xf32, #tpu.memory_space<hbm>> -> memref<2600000xf32, #tpu.memory_space<hbm>>
      tpu.enqueue_indirect_dma source(%dma_start3A_112 : memref<2600000xf32, #tpu.memory_space<hbm>>) target(%dma_start3A_104 : memref<128xf32, #tpu.memory_space<vmem>>) offsets(%dma_start3A_107 : memref<128xi32, #tpu.memory_space<vmem>>) semaphore(%arg11 : memref<!tpu.dma_semaphore, #tpu.memory_space<semaphore_mem>>)
      %scan3A_113 = arith.constant 0 : i32
      scf.yield %scan3A_113 : i32
    }
    %scan3A_17 = arith.constant 13 : i32
    %dma_start3A = arith.constant 0 : i32
    %dma_start3A_18 = tpu.memref_slice %arg9[%dma_start3A] : memref<16xf32, #tpu.memory_space<vmem>> -> memref<1xf32, #tpu.memory_space<vmem>>
    %dma_start3A_19 = arith.constant 0 : i32
    %dma_start3A_20 = tpu.memref_slice %arg9[%dma_start3A_19] : memref<16xf32, #tpu.memory_space<vmem>> -> memref<1xf32, #tpu.memory_space<vmem>>
    tpu.enqueue_dma source(%arg4 : memref<1xf32, #tpu.memory_space<hbm>>) target(%dma_start3A_20 : memref<1xf32, #tpu.memory_space<vmem>>) target_semaphore(%arg12 : memref<!tpu.dma_semaphore, #tpu.memory_space<semaphore_mem>>)
    %broadcast_in_dim3A = arith.constant 0.000000e+00 : f32
    %broadcast_in_dim3A_21 = vector.broadcast %broadcast_in_dim3A : f32 to vector<16xf32>
    %scan3A_22 = arith.constant 0 : i32
    %scan3A_23 = arith.constant 0 : i32
    %scan3A_24 = arith.constant 0 : i32
    %scan3A_25 = arith.constant 13 : i32
    %scan3A_26 = arith.addi %scan3A_24, %scan3A_25 : i32
    %scan3A_27 = arith.constant 1 : i32
    scf.for %scan3A_100 = %scan3A_24 to %scan3A_26 step %scan3A_27  : i32 {
      %dma_wait3A_101 = arith.constant 0 : i32
      %dma_wait3A_102 = arith.constant 0 : i32
      %dma_wait3A_103 = arith.constant 0 : i32
      %dma_wait3A_104 = tpu.memref_slice %arg7[%dma_wait3A_102, %dma_wait3A_103] : memref<26x128xf32, #tpu.memory_space<vmem>> -> memref<1x128xf32, #tpu.memory_space<vmem>>
      %dma_wait3A_105 = tpu.memref_squeeze %dma_wait3A_104 : memref<1x128xf32, #tpu.memory_space<vmem>> -> memref<128xf32, #tpu.memory_space<vmem>>
      %dma_wait3A_106 = arith.constant 0 : i32
      %dma_wait3A_107 = tpu.memref_slice %arg6[%dma_wait3A_101, %dma_wait3A_106] : memref<26x128xi32, #tpu.memory_space<vmem>> -> memref<1x128xi32, #tpu.memory_space<vmem>>
      %dma_wait3A_108 = tpu.memref_squeeze %dma_wait3A_107 : memref<1x128xi32, #tpu.memory_space<vmem>> -> memref<128xi32, #tpu.memory_space<vmem>>
      %dma_wait3A_109 = arith.constant 0 : i32
      %dma_wait3A_110 = tpu.memref_slice %arg3[%scan3A_23, %dma_wait3A_109] : memref<1x2600000xf32, #tpu.memory_space<hbm>> -> memref<1x2600000xf32, #tpu.memory_space<hbm>>
      %dma_wait3A_111 = tpu.memref_squeeze %dma_wait3A_110 : memref<1x2600000xf32, #tpu.memory_space<hbm>> -> memref<2600000xf32, #tpu.memory_space<hbm>>
      %dma_wait3A_112 = arith.constant 0 : i32
      %dma_wait3A_113 = tpu.memref_slice %dma_wait3A_111[%dma_wait3A_112] : memref<2600000xf32, #tpu.memory_space<hbm>> -> memref<2600000xf32, #tpu.memory_space<hbm>>
      tpu.wait_indirect_dma semaphore(%arg10 : memref<!tpu.dma_semaphore, #tpu.memory_space<semaphore_mem>>) src(%dma_wait3A_113 : memref<2600000xf32, #tpu.memory_space<hbm>>) dst(%dma_wait3A_105 : memref<128xf32, #tpu.memory_space<vmem>>)
    }
    %scan3A_28 = arith.constant 13 : i32
    %scan3A_29 = arith.constant 0 : i32
    %scan3A_30 = arith.constant 13 : i32
    %scan3A_31 = arith.addi %scan3A_29, %scan3A_30 : i32
    %scan3A_32 = arith.constant 1 : i32
    %scan3A_33:8 = scf.for %scan3A_100 = %scan3A_29 to %scan3A_31 step %scan3A_32 iter_args(%scan3A_101 = %broadcast_in_dim3A_21, %scan3A_102 = %broadcast_in_dim3A_21, %scan3A_103 = %broadcast_in_dim3A_21, %scan3A_104 = %broadcast_in_dim3A_21, %scan3A_105 = %broadcast_in_dim3A_21, %scan3A_106 = %broadcast_in_dim3A_21, %scan3A_107 = %broadcast_in_dim3A_21, %scan3A_108 = %broadcast_in_dim3A_21) -> (vector<16xf32>, vector<16xf32>, vector<16xf32>, vector<16xf32>, vector<16xf32>, vector<16xf32>, vector<16xf32>, vector<16xf32>)  : i32 {
      %get3A_109 = arith.index_cast %scan3A_100 : i32 to index
      %get3A_110 = arith.constant 0 : index
      %get3A_111 = tpu.vector_load %arg7[%get3A_109, %get3A_110] {strides = array<i32>} : memref<26x128xf32, #tpu.memory_space<vmem>>, vector<1x16xf32>,
      %get3A_112 = vector.shape_cast %get3A_111 : vector<1x16xf32> to vector<16xf32>
      %add3A_113 = arith.addf %scan3A_101, %get3A_112 : vector<16xf32>
      %get3A_114 = arith.index_cast %scan3A_100 : i32 to index
      %get3A_115 = arith.constant 16 : index
      %get3A_116 = tpu.vector_load %arg7[%get3A_114, %get3A_115] {strides = array<i32>} : memref<26x128xf32, #tpu.memory_space<vmem>>, vector<1x16xf32>,
      %get3A_117 = vector.shape_cast %get3A_116 : vector<1x16xf32> to vector<16xf32>
      %add3A_118 = arith.addf %scan3A_102, %get3A_117 : vector<16xf32>
      %get3A_119 = arith.index_cast %scan3A_100 : i32 to index
      %get3A_120 = arith.constant 32 : index
      %get3A_121 = tpu.vector_load %arg7[%get3A_119, %get3A_120] {strides = array<i32>} : memref<26x128xf32, #tpu.memory_space<vmem>>, vector<1x16xf32>,
      %get3A_122 = vector.shape_cast %get3A_121 : vector<1x16xf32> to vector<16xf32>
      %add3A_123 = arith.addf %scan3A_103, %get3A_122 : vector<16xf32>
      %get3A_124 = arith.index_cast %scan3A_100 : i32 to index
      %get3A_125 = arith.constant 48 : index
      %get3A_126 = tpu.vector_load %arg7[%get3A_124, %get3A_125] {strides = array<i32>} : memref<26x128xf32, #tpu.memory_space<vmem>>, vector<1x16xf32>,
      %get3A_127 = vector.shape_cast %get3A_126 : vector<1x16xf32> to vector<16xf32>
      %add3A_128 = arith.addf %scan3A_104, %get3A_127 : vector<16xf32>
      %get3A_129 = arith.index_cast %scan3A_100 : i32 to index
      %get3A_130 = arith.constant 64 : index
      %get3A_131 = tpu.vector_load %arg7[%get3A_129, %get3A_130] {strides = array<i32>} : memref<26x128xf32, #tpu.memory_space<vmem>>, vector<1x16xf32>,
      %get3A_132 = vector.shape_cast %get3A_131 : vector<1x16xf32> to vector<16xf32>
      %add3A_133 = arith.addf %scan3A_105, %get3A_132 : vector<16xf32>
      %get3A_134 = arith.index_cast %scan3A_100 : i32 to index
      %get3A_135 = arith.constant 80 : index
      %get3A_136 = tpu.vector_load %arg7[%get3A_134, %get3A_135] {strides = array<i32>} : memref<26x128xf32, #tpu.memory_space<vmem>>, vector<1x16xf32>,
      %get3A_137 = vector.shape_cast %get3A_136 : vector<1x16xf32> to vector<16xf32>
      %add3A_138 = arith.addf %scan3A_106, %get3A_137 : vector<16xf32>
      %get3A_139 = arith.index_cast %scan3A_100 : i32 to index
      %get3A_140 = arith.constant 96 : index
      %get3A_141 = tpu.vector_load %arg7[%get3A_139, %get3A_140] {strides = array<i32>} : memref<26x128xf32, #tpu.memory_space<vmem>>, vector<1x16xf32>,
      %get3A_142 = vector.shape_cast %get3A_141 : vector<1x16xf32> to vector<16xf32>
      %add3A_143 = arith.addf %scan3A_107, %get3A_142 : vector<16xf32>
      %get3A_144 = arith.index_cast %scan3A_100 : i32 to index
      %get3A_145 = arith.constant 112 : index
      %get3A_146 = tpu.vector_load %arg7[%get3A_144, %get3A_145] {strides = array<i32>} : memref<26x128xf32, #tpu.memory_space<vmem>>, vector<1x16xf32>,
      %get3A_147 = vector.shape_cast %get3A_146 : vector<1x16xf32> to vector<16xf32>
      %add3A_148 = arith.addf %scan3A_108, %get3A_147 : vector<16xf32>
      scf.yield %add3A_113, %add3A_118, %add3A_123, %add3A_128, %add3A_133, %add3A_138, %add3A_143, %add3A_148 : vector<16xf32>, vector<16xf32>, vector<16xf32>, vector<16xf32>, vector<16xf32>, vector<16xf32>, vector<16xf32>, vector<16xf32>
    }
    %scan3A_34 = arith.constant 13 : i32
    %scan3A_35 = arith.constant 0 : i32
    %scan3A_36 = arith.constant 0 : i32
    %scan3A_37 = arith.constant 0 : i32
    %scan3A_38 = arith.constant 13 : i32
    %scan3A_39 = arith.addi %scan3A_37, %scan3A_38 : i32
    %scan3A_40 = arith.constant 1 : i32
    scf.for %scan3A_100 = %scan3A_37 to %scan3A_39 step %scan3A_40  : i32 {
      %dma_wait3A_101 = arith.constant 0 : i32
      %dma_wait3A_102 = arith.constant 0 : i32
      %dma_wait3A_103 = arith.constant 0 : i32
      %dma_wait3A_104 = tpu.memref_slice %arg7[%dma_wait3A_102, %dma_wait3A_103] : memref<26x128xf32, #tpu.memory_space<vmem>> -> memref<1x128xf32, #tpu.memory_space<vmem>>
      %dma_wait3A_105 = tpu.memref_squeeze %dma_wait3A_104 : memref<1x128xf32, #tpu.memory_space<vmem>> -> memref<128xf32, #tpu.memory_space<vmem>>
      %dma_wait3A_106 = arith.constant 0 : i32
      %dma_wait3A_107 = tpu.memref_slice %arg6[%dma_wait3A_101, %dma_wait3A_106] : memref<26x128xi32, #tpu.memory_space<vmem>> -> memref<1x128xi32, #tpu.memory_space<vmem>>
      %dma_wait3A_108 = tpu.memref_squeeze %dma_wait3A_107 : memref<1x128xi32, #tpu.memory_space<vmem>> -> memref<128xi32, #tpu.memory_space<vmem>>
      %dma_wait3A_109 = arith.constant 0 : i32
      %dma_wait3A_110 = tpu.memref_slice %arg3[%scan3A_36, %dma_wait3A_109] : memref<1x2600000xf32, #tpu.memory_space<hbm>> -> memref<1x2600000xf32, #tpu.memory_space<hbm>>
      %dma_wait3A_111 = tpu.memref_squeeze %dma_wait3A_110 : memref<1x2600000xf32, #tpu.memory_space<hbm>> -> memref<2600000xf32, #tpu.memory_space<hbm>>
      %dma_wait3A_112 = arith.constant 0 : i32
      %dma_wait3A_113 = tpu.memref_slice %dma_wait3A_111[%dma_wait3A_112] : memref<2600000xf32, #tpu.memory_space<hbm>> -> memref<2600000xf32, #tpu.memory_space<hbm>>
      tpu.wait_indirect_dma semaphore(%arg11 : memref<!tpu.dma_semaphore, #tpu.memory_space<semaphore_mem>>) src(%dma_wait3A_113 : memref<2600000xf32, #tpu.memory_space<hbm>>) dst(%dma_wait3A_105 : memref<128xf32, #tpu.memory_space<vmem>>)
    }
    %scan3A_41 = arith.constant 13 : i32
    %scan3A_42 = arith.constant 13 : i32
    %scan3A_43 = arith.constant 13 : i32
    %scan3A_44 = arith.addi %scan3A_42, %scan3A_43 : i32
    %scan3A_45 = arith.constant 1 : i32
    %scan3A_46:8 = scf.for %scan3A_100 = %scan3A_42 to %scan3A_44 step %scan3A_45 iter_args(%scan3A_101 = %scan3A_33#0, %scan3A_102 = %scan3A_33#1, %scan3A_103 = %scan3A_33#2, %scan3A_104 = %scan3A_33#3, %scan3A_105 = %scan3A_33#4, %scan3A_106 = %scan3A_33#5, %scan3A_107 = %scan3A_33#6, %scan3A_108 = %scan3A_33#7) -> (vector<16xf32>, vector<16xf32>, vector<16xf32>, vector<16xf32>, vector<16xf32>, vector<16xf32>, vector<16xf32>, vector<16xf32>)  : i32 {
      %get3A_109 = arith.index_cast %scan3A_100 : i32 to index
      %get3A_110 = arith.constant 0 : index
      %get3A_111 = tpu.vector_load %arg7[%get3A_109, %get3A_110] {strides = array<i32>} : memref<26x128xf32, #tpu.memory_space<vmem>>, vector<1x16xf32>,
      %get3A_112 = vector.shape_cast %get3A_111 : vector<1x16xf32> to vector<16xf32>
      %add3A_113 = arith.addf %scan3A_101, %get3A_112 : vector<16xf32>
      %get3A_114 = arith.index_cast %scan3A_100 : i32 to index
      %get3A_115 = arith.constant 16 : index
      %get3A_116 = tpu.vector_load %arg7[%get3A_114, %get3A_115] {strides = array<i32>} : memref<26x128xf32, #tpu.memory_space<vmem>>, vector<1x16xf32>,
      %get3A_117 = vector.shape_cast %get3A_116 : vector<1x16xf32> to vector<16xf32>
      %add3A_118 = arith.addf %scan3A_102, %get3A_117 : vector<16xf32>
      %get3A_119 = arith.index_cast %scan3A_100 : i32 to index
      %get3A_120 = arith.constant 32 : index
      %get3A_121 = tpu.vector_load %arg7[%get3A_119, %get3A_120] {strides = array<i32>} : memref<26x128xf32, #tpu.memory_space<vmem>>, vector<1x16xf32>,
      %get3A_122 = vector.shape_cast %get3A_121 : vector<1x16xf32> to vector<16xf32>
      %add3A_123 = arith.addf %scan3A_103, %get3A_122 : vector<16xf32>
      %get3A_124 = arith.index_cast %scan3A_100 : i32 to index
      %get3A_125 = arith.constant 48 : index
      %get3A_126 = tpu.vector_load %arg7[%get3A_124, %get3A_125] {strides = array<i32>} : memref<26x128xf32, #tpu.memory_space<vmem>>, vector<1x16xf32>,
      %get3A_127 = vector.shape_cast %get3A_126 : vector<1x16xf32> to vector<16xf32>
      %add3A_128 = arith.addf %scan3A_104, %get3A_127 : vector<16xf32>
      %get3A_129 = arith.index_cast %scan3A_100 : i32 to index
      %get3A_130 = arith.constant 64 : index
      %get3A_131 = tpu.vector_load %arg7[%get3A_129, %get3A_130] {strides = array<i32>} : memref<26x128xf32, #tpu.memory_space<vmem>>, vector<1x16xf32>,
      %get3A_132 = vector.shape_cast %get3A_131 : vector<1x16xf32> to vector<16xf32>
      %add3A_133 = arith.addf %scan3A_105, %get3A_132 : vector<16xf32>
      %get3A_134 = arith.index_cast %scan3A_100 : i32 to index
      %get3A_135 = arith.constant 80 : index
      %get3A_136 = tpu.vector_load %arg7[%get3A_134, %get3A_135] {strides = array<i32>} : memref<26x128xf32, #tpu.memory_space<vmem>>, vector<1x16xf32>,
      %get3A_137 = vector.shape_cast %get3A_136 : vector<1x16xf32> to vector<16xf32>
      %add3A_138 = arith.addf %scan3A_106, %get3A_137 : vector<16xf32>
      %get3A_139 = arith.index_cast %scan3A_100 : i32 to index
      %get3A_140 = arith.constant 96 : index
      %get3A_141 = tpu.vector_load %arg7[%get3A_139, %get3A_140] {strides = array<i32>} : memref<26x128xf32, #tpu.memory_space<vmem>>, vector<1x16xf32>,
      %get3A_142 = vector.shape_cast %get3A_141 : vector<1x16xf32> to vector<16xf32>
      %add3A_143 = arith.addf %scan3A_107, %get3A_142 : vector<16xf32>
      %get3A_144 = arith.index_cast %scan3A_100 : i32 to index
      %get3A_145 = arith.constant 112 : index
      %get3A_146 = tpu.vector_load %arg7[%get3A_144, %get3A_145] {strides = array<i32>} : memref<26x128xf32, #tpu.memory_space<vmem>>, vector<1x16xf32>,
      %get3A_147 = vector.shape_cast %get3A_146 : vector<1x16xf32> to vector<16xf32>
      %add3A_148 = arith.addf %scan3A_108, %get3A_147 : vector<16xf32>
      scf.yield %add3A_113, %add3A_118, %add3A_123, %add3A_128, %add3A_133, %add3A_138, %add3A_143, %add3A_148 : vector<16xf32>, vector<16xf32>, vector<16xf32>, vector<16xf32>, vector<16xf32>, vector<16xf32>, vector<16xf32>, vector<16xf32>
    }
    %scan3A_47 = arith.constant 13 : i32
    %dma_wait3A = arith.constant 0 : i32
    %dma_wait3A_48 = tpu.memref_slice %arg9[%dma_wait3A] : memref<16xf32, #tpu.memory_space<vmem>> -> memref<1xf32, #tpu.memory_space<vmem>>
    %dma_wait3A_49 = arith.constant 0 : i32
    %dma_wait3A_50 = tpu.memref_slice %arg9[%dma_wait3A_49] : memref<16xf32, #tpu.memory_space<vmem>> -> memref<1xf32, #tpu.memory_space<vmem>>
    tpu.wait_dma2 semaphore(%arg12 : memref<!tpu.dma_semaphore, #tpu.memory_space<semaphore_mem>>) src(%arg4 : memref<1xf32, #tpu.memory_space<hbm>>) dst(%dma_wait3A_50 : memref<1xf32, #tpu.memory_space<vmem>>)
    %get3A = arith.constant 0 : index
    %get3A_51 = tpu.vector_load %arg9[%get3A] {strides = array<i32>} : memref<16xf32, #tpu.memory_space<vmem>>, vector<16xf32>,
    %get3A_52 = vector.shape_cast %get3A_51 : vector<16xf32> to vector<16xf32>
    %slice3A = vector.extract_strided_slice %get3A_52 {offsets = [0], sizes = [1], strides = [1]} : vector<16xf32> to vector<1xf32>
    %squeeze3A = vector.extract %slice3A[0] : f32 from vector<1xf32>
    %add3A_53 = vector.broadcast %squeeze3A : f32 to vector<16xf32>
    %add3A_54 = arith.addf %scan3A_46#0, %add3A_53 : vector<16xf32>
    %swap3A = arith.constant 0 : index
    %swap3A_55 = tpu.vector_load %arg8[%swap3A] {strides = array<i32>} : memref<128xf32, #tpu.memory_space<vmem>>, vector<16xf32>,
    %swap3A_56 = vector.shape_cast %swap3A_55 : vector<16xf32> to vector<16xf32>
    %swap3A_57 = vector.shape_cast %add3A_54 : vector<16xf32> to vector<16xf32>
    tpu.vector_store %arg8[%swap3A], %swap3A_57 {strides = array<i32>} : memref<128xf32, #tpu.memory_space<vmem>>, vector<16xf32>,
    %add3A_58 = vector.broadcast %squeeze3A : f32 to vector<16xf32>
    %add3A_59 = arith.addf %scan3A_46#1, %add3A_58 : vector<16xf32>
    %swap3A_60 = arith.constant 16 : index
    %swap3A_61 = tpu.vector_load %arg8[%swap3A_60] {strides = array<i32>} : memref<128xf32, #tpu.memory_space<vmem>>, vector<16xf32>,
    %swap3A_62 = vector.shape_cast %swap3A_61 : vector<16xf32> to vector<16xf32>
    %swap3A_63 = vector.shape_cast %add3A_59 : vector<16xf32> to vector<16xf32>
    tpu.vector_store %arg8[%swap3A_60], %swap3A_63 {strides = array<i32>} : memref<128xf32, #tpu.memory_space<vmem>>, vector<16xf32>,
    %add3A_64 = vector.broadcast %squeeze3A : f32 to vector<16xf32>
    %add3A_65 = arith.addf %scan3A_46#2, %add3A_64 : vector<16xf32>
    %swap3A_66 = arith.constant 32 : index
    %swap3A_67 = tpu.vector_load %arg8[%swap3A_66] {strides = array<i32>} : memref<128xf32, #tpu.memory_space<vmem>>, vector<16xf32>,
    %swap3A_68 = vector.shape_cast %swap3A_67 : vector<16xf32> to vector<16xf32>
    %swap3A_69 = vector.shape_cast %add3A_65 : vector<16xf32> to vector<16xf32>
    tpu.vector_store %arg8[%swap3A_66], %swap3A_69 {strides = array<i32>} : memref<128xf32, #tpu.memory_space<vmem>>, vector<16xf32>,
    %add3A_70 = vector.broadcast %squeeze3A : f32 to vector<16xf32>
    %add3A_71 = arith.addf %scan3A_46#3, %add3A_70 : vector<16xf32>
    %swap3A_72 = arith.constant 48 : index
    %swap3A_73 = tpu.vector_load %arg8[%swap3A_72] {strides = array<i32>} : memref<128xf32, #tpu.memory_space<vmem>>, vector<16xf32>,
    %swap3A_74 = vector.shape_cast %swap3A_73 : vector<16xf32> to vector<16xf32>
    %swap3A_75 = vector.shape_cast %add3A_71 : vector<16xf32> to vector<16xf32>
    tpu.vector_store %arg8[%swap3A_72], %swap3A_75 {strides = array<i32>} : memref<128xf32, #tpu.memory_space<vmem>>, vector<16xf32>,
    %add3A_76 = vector.broadcast %squeeze3A : f32 to vector<16xf32>
    %add3A_77 = arith.addf %scan3A_46#4, %add3A_76 : vector<16xf32>
    %swap3A_78 = arith.constant 64 : index
    %swap3A_79 = tpu.vector_load %arg8[%swap3A_78] {strides = array<i32>} : memref<128xf32, #tpu.memory_space<vmem>>, vector<16xf32>,
    %swap3A_80 = vector.shape_cast %swap3A_79 : vector<16xf32> to vector<16xf32>
    %swap3A_81 = vector.shape_cast %add3A_77 : vector<16xf32> to vector<16xf32>
    tpu.vector_store %arg8[%swap3A_78], %swap3A_81 {strides = array<i32>} : memref<128xf32, #tpu.memory_space<vmem>>, vector<16xf32>,
    %add3A_82 = vector.broadcast %squeeze3A : f32 to vector<16xf32>
    %add3A_83 = arith.addf %scan3A_46#5, %add3A_82 : vector<16xf32>
    %swap3A_84 = arith.constant 80 : index
    %swap3A_85 = tpu.vector_load %arg8[%swap3A_84] {strides = array<i32>} : memref<128xf32, #tpu.memory_space<vmem>>, vector<16xf32>,
    %swap3A_86 = vector.shape_cast %swap3A_85 : vector<16xf32> to vector<16xf32>
    %swap3A_87 = vector.shape_cast %add3A_83 : vector<16xf32> to vector<16xf32>
    tpu.vector_store %arg8[%swap3A_84], %swap3A_87 {strides = array<i32>} : memref<128xf32, #tpu.memory_space<vmem>>, vector<16xf32>,
    %add3A_88 = vector.broadcast %squeeze3A : f32 to vector<16xf32>
    %add3A_89 = arith.addf %scan3A_46#6, %add3A_88 : vector<16xf32>
    %swap3A_90 = arith.constant 96 : index
    %swap3A_91 = tpu.vector_load %arg8[%swap3A_90] {strides = array<i32>} : memref<128xf32, #tpu.memory_space<vmem>>, vector<16xf32>,
    %swap3A_92 = vector.shape_cast %swap3A_91 : vector<16xf32> to vector<16xf32>
    %swap3A_93 = vector.shape_cast %add3A_89 : vector<16xf32> to vector<16xf32>
    tpu.vector_store %arg8[%swap3A_90], %swap3A_93 {strides = array<i32>} : memref<128xf32, #tpu.memory_space<vmem>>, vector<16xf32>,
    %add3A_94 = vector.broadcast %squeeze3A : f32 to vector<16xf32>
    %add3A_95 = arith.addf %scan3A_46#7, %add3A_94 : vector<16xf32>
    %swap3A_96 = arith.constant 112 : index
    %swap3A_97 = tpu.vector_load %arg8[%swap3A_96] {strides = array<i32>} : memref<128xf32, #tpu.memory_space<vmem>>, vector<16xf32>,
    %swap3A_98 = vector.shape_cast %swap3A_97 : vector<16xf32> to vector<16xf32>
    %swap3A_99 = vector.shape_cast %add3A_95 : vector<16xf32> to vector<16xf32>
    tpu.vector_store %arg8[%swap3A_96], %swap3A_99 {strides = array<i32>} : memref<128xf32, #tpu.memory_space<vmem>>, vector<16xf32>,
    "tpu.region"() ({
      %run_scoped3A = tpu.sem_alloc : memref<!tpu.dma_semaphore, #tpu.memory_space<semaphore_mem>>
      %dma_start3A_100 = tpu.memref_slice %arg5[%mul3A_2] : memref<4096xf32, #tpu.memory_space<hbm>> -> memref<128xf32, #tpu.memory_space<hbm>>
      %dma_start3A_101 = tpu.memref_slice %arg5[%mul3A_2] : memref<4096xf32, #tpu.memory_space<hbm>> -> memref<128xf32, #tpu.memory_space<hbm>>
      tpu.enqueue_dma source(%arg8 : memref<128xf32, #tpu.memory_space<vmem>>) target(%dma_start3A_101 : memref<128xf32, #tpu.memory_space<hbm>>) target_semaphore(%run_scoped3A : memref<!tpu.dma_semaphore, #tpu.memory_space<semaphore_mem>>)
      %dma_wait3A_102 = tpu.memref_slice %arg5[%mul3A_2] : memref<4096xf32, #tpu.memory_space<hbm>> -> memref<128xf32, #tpu.memory_space<hbm>>
      %dma_wait3A_103 = tpu.memref_slice %arg5[%mul3A_2] : memref<4096xf32, #tpu.memory_space<hbm>> -> memref<128xf32, #tpu.memory_space<hbm>>
      tpu.wait_dma2 semaphore(%run_scoped3A : memref<!tpu.dma_semaphore, #tpu.memory_space<semaphore_mem>>) src(%arg8 : memref<128xf32, #tpu.memory_space<vmem>>) dst(%dma_wait3A_103 : memref<128xf32, #tpu.memory_space<hbm>>)
      tpu.yield
    }) : () -> ()
    return
  }
}

</mosaic_0001>

<sc_bundles>
// kernel: kernel.3.cloned.1.call-start
scs
__scs_entry_jumppad:
0x0: {  	(pc) =	sbr.rel $0x88, $3  }
0x1: {  	(tag) =	ssettag $0x0;
	lr =	simm.s32 $0x1  }
0x2: {  	[smem:$0x3F9E] =	sst lr;
	_ =	strace $0xD0000000  }
0x3: {  	_ = 	snop  }
0x4: {  	_ = 	snop  }
0x5: {  	_ = 	snop  }
0x6: {  	_ = 	snop  }
0x7: {  	_ = 	snop  }
__scs_overlays_trampoline_lowered:
0x8: {  	[smem:$0x3FAD] =	sst s0  }
0x9: {  	[smem:$0x3FAE] =	sst s1  }
0xa: {  	[smem:$0x3FAF] =	sst s2  }
0xb: {  	[smem:$0x3FB0] =	sst s3  }
0xc: {  	[smem:$0x3FB1] =	sst s4  }
0xd: {  	[smem:$0x3FB2] =	sst s5  }
0xe: {  	[smem:$0x3FB3] =	sst s6  }
0xf: {  	[smem:$0x3FB4] =	sst s7  }
0x10: {  	[smem:$0x3FB5] =	sst s8  }
0x11: {  	[smem:$0x3FB6] =	sst s9;
	s0 =	simm.s32 @!p0 $0x0  }
0x12: {  	s1 =	sld [smem:$0x3F9C];
	s0 =	simm.s32 @p0 $0x1  }
0x13: {  	[smem:$0x3FB7] =	sst s0;
	s0 =	simm.s32 @!p1 $0x0  }
0x14: {  	s2 =	sld [smem:$0x3F9B];
	s0 =	simm.s32 @p1 $0x1  }
0x15: {  	[smem:$0x3FB8] =	sst s0;
	s0 =	simm.s32 @!p2 $0x0  }
0x16: {  	s3 =	sld [smem:$0x3FDB];
	s0 =	simm.s32 @p2 $0x1  }
0x17: {  	s4 =	simm.s32 $0x1BF5;
	[smem:$0x3FBA] =	sst s0  }
0x18: {  	s0 =	sld [smem:$0x3F9D];
	_ =	swait.ge [sflag:s4], $0x0  }
0x19: {  	s7 =	sld [smem:$0x3F9E]  }
0x1a: {  	s8 =	sadd.s32 $0xFFFFE003, lr  }
0x1b: {  	s9 =	sadd.s32 $0xFFFFFEF7, lr;
	s5 =	simm.s32 $0xFFFFFFFF;
	p2 =	slt.u32 s8, $0xFFFFF086  }
0x1c: {  	p1 =	slt.u32 s9, $0xF7A;
	s5 =	simm.s32 @!p2 $0x0  }
0x1d: {  	s5 =	simm.s32 @p1 $0x1;
	p0 =	seq.s32 s7, s2  }
0x1e: {  	s7 =	smul.u32 @!p0 $0xF7A, s2;
	p2 =	seq.s32 @!p0 s5, $0x0  }
0x1f: {  	s9 =	smul.u32 $0xF7A, s1;
	s8 =	simm.s32 @!p0 $0x1BF5;
	p2 =	por !p2, p0  }
0x20: {  	[sflag:s8] =	ssyncset.s32 @!p0 $0xFFFFF086;
	s6 =	sadd.s32 @!p0 s3, s7;
	s7 =	simm.s32 @!p0 $0x108  }
0x21: {  	s3 =	sadd.s32 s3, s9;
	s6 =	sadd.s32 @!p0 $0x88, s6;
	s7 =	simm.s32 @p2 $0x1082  }
0x22: {  	[simem:s7], [sflag:s8] =	dma.local @!p0 [hbm:s6], $0xF7A  }
0x23: {  	s9 =	sor.u32 $0xD0000000, s2;
	s6 =	simm.s32 $0x108;
	_ =	swait.ge @!p0 [sflag:s8], $0x0  }
0x24: {  	s3 =	sadd.s32 $0x88, s3;
	s6 =	simm.s32 @!p1 $0x1082;
	[sflag:s4] =	ssyncset.s32 $0xFFFFF086  }
0x25: {  	[simem:s6], [sflag:s4] =	dma.local [hbm:s3], $0xF7A  }
0x26: {  	[smem:$0x3F9E] =	sst s1;
	(tag) =	ssettag s2;
	_ =	strace s9  }
0x27: {  	s1 =	sld [smem:$0x3FAE]  }
0x28: {  	s2 =	sld [smem:$0x3FAF]  }
0x29: {  	s4 =	sld [smem:$0x3FB1]  }
0x2a: {  	p0 =	seq.s32 s5, $0x0;
	s5 =	sld [smem:$0x3FB2]  }
0x2b: {  	s6 =	sld [smem:$0x3FB3]  }
0x2c: {  	s7 =	sld [smem:$0x3FB4]  }
0x2d: {  	s3 =	simm.s32 $0x108;
	s8 =	sld [smem:$0x3FB5]  }
0x2e: {  	s3 =	simm.s32 @!p0 $0x1082;
	s9 =	sld [smem:$0x3FB6]  }
0x2f: {  	lr =	sadd.s32 s0, s3;
	s0 =	sld [smem:$0x3FAD]  }
0x30: {  	s3 =	sld [smem:$0x3FB0]  }
0x31: {  	[smem:$0x3FB9] =	sst s10  }
0x32: {  	s10 =	sld [smem:$0x3FB7];
	_ =	sdelay $0x3  }
0x33: {  	p0 =	seq.s32 s10, $0x1;
	s10 =	sld [smem:$0x3FB9];
	_ =	sdelay $0x3  }
0x34: {  	[smem:$0x3FB9] =	sst s10  }
0x35: {  	s10 =	sld [smem:$0x3FB8];
	_ =	sdelay $0x3  }
0x36: {  	p1 =	seq.s32 s10, $0x1;
	s10 =	sld [smem:$0x3FB9];
	_ =	sdelay $0x3  }
0x37: {  	[smem:$0x3FB9] =	sst s10  }
0x38: {  	s10 =	sld [smem:$0x3FBA]  }
0x39: {  	_ = 	snop;
	(pc) =	sbr.ind lr, $3  }
0x3a: {  	_ = 	snop  }
0x3b: {  	_ = 	snop  }
0x3c: {  	p2 =	seq.s32 s10, $0x1;
	s10 =	sld [smem:$0x3FB9]  }
0x3d: {  	_ =	shalt  }
0x3e: {  	_ =	shalt  }
0x3f: {  	_ =	shalt  }
0x40: {  	_ =	shalt  }
0x41: {  	_ =	shalt  }
0x42: {  	_ =	shalt  }
0x43: {  	_ =	shalt  }
0x44: {  	_ =	shalt  }
0x45: {  	_ =	shalt  }
0x46: {  	_ =	shalt  }
0x47: {  	_ =	shalt  }
0x48: {  	_ =	shalt  }
0x49: {  	_ =	shalt  }
0x4a: {  	_ =	shalt  }
0x4b: {  	_ =	shalt  }
0x4c: {  	_ =	shalt  }
0x4d: {  	_ =	shalt  }
0x4e: {  	_ =	shalt  }
0x4f: {  	_ =	shalt  }
0x50: {  	_ =	shalt  }
0x51: {  	_ =	shalt  }
0x52: {  	_ =	shalt  }
0x53: {  	_ =	shalt  }
0x54: {  	_ =	shalt  }
0x55: {  	_ =	shalt  }
0x56: {  	_ =	shalt  }
0x57: {  	_ =	shalt  }
0x58: {  	_ =	shalt  }
0x59: {  	_ =	shalt  }
0x5a: {  	_ =	shalt  }
0x5b: {  	_ =	shalt  }
0x5c: {  	_ =	shalt  }
0x5d: {  	_ =	shalt  }
0x5e: {  	_ =	shalt  }
0x5f: {  	_ =	shalt  }
0x60: {  	_ =	shalt  }
0x61: {  	_ =	shalt  }
0x62: {  	_ =	shalt  }
0x63: {  	_ =	shalt  }
0x64: {  	_ =	shalt  }
0x65: {  	_ =	shalt  }
0x66: {  	_ =	shalt  }
0x67: {  	_ =	shalt  }
0x68: {  	_ =	shalt  }
0x69: {  	_ =	shalt  }
0x6a: {  	_ =	shalt  }
0x6b: {  	_ =	shalt  }
0x6c: {  	_ =	shalt  }
0x6d: {  	_ =	shalt  }
0x6e: {  	_ =	shalt  }
0x6f: {  	_ =	shalt  }
0x70: {  	_ =	shalt  }
0x71: {  	_ =	shalt  }
0x72: {  	_ =	shalt  }
0x73: {  	_ =	shalt  }
0x74: {  	_ =	shalt  }
0x75: {  	_ =	shalt  }
0x76: {  	_ =	shalt  }
0x77: {  	_ =	shalt  }
0x78: {  	_ =	shalt  }
0x79: {  	_ =	shalt  }
0x7a: {  	_ =	shalt  }
0x7b: {  	_ =	shalt  }
0x7c: {  	_ =	shalt  }
0x7d: {  	_ =	shalt  }
0x7e: {  	_ =	shalt  }
0x7f: {  	_ =	shalt  }
0x80: {  	_ =	shalt  }
0x81: {  	_ =	shalt  }
0x82: {  	_ =	shalt  }
0x83: {  	_ =	shalt  }
0x84: {  	_ =	shalt  }
0x85: {  	_ =	shalt  }
0x86: {  	_ =	shalt  }
0x87: {  	_ =	shalt  }
.Lfunc_end0:
.L_simem_size_0:
called_computation_lowered:
.L_overlay_start_0:
0x88: {  	s2 =	sld [smem:$0x3FD9]  }
0x89: {  	s3 =	sld [smem:$0x3FFE];
	_ =	sdelay $0x1  }
0x8a: {  	s1 =	srdreg.scid  }
0x8b: {  	s0 =	sand.u32 $0x1, s1  }
0x8c: {  	s18 =	sshll.u32 s0, $0xA;
	s2 =	sadd.s32 s3, s2  }
0x8d: {  	s2 =	sadd.s32 s2, s18  }
0x8e: {  	[smem:$0x3FC5] =	sst s2  }
0x8f: {  	_ = 	snop  }
0x90: {  	s2 =	sld [smem:$0x3FC9]  }
0x91: {  	s19 =	sld [smem:$0x3FC8]  }
0x92: {  	s4 =	sld [smem:$0x3FC7]  }
0x93: {  	s5 =	sld [smem:$0x3FD0];
	(tm) =	ssettm $0x1  }
0x94: {  	s6 =	sld [smem:$0x3FFB];
	_ =	sdelay $0x3  }
0x95: {  	_ =	strace s6  }
0x96: {  	s6 =	sld [smem:$0x3FFC];
	_ =	sdelay $0x3  }
0x97: {  	_ =	strace s6  }
0x98: {  	s6 =	sld [smem:$0x3FFD];
	_ =	sdelay $0x3  }
0x99: {  	_ =	strace s6  }
0x9a: {  	_ =	strace $0x8FFFFFFF  }
0x9b: {  	s20 =	sld [smem:$0x3FDB];
	_ =	sdelay $0x1  }
0x9c: {  	s7 =	simm.s32 $_scs_section_size  }
0x9d: {  	s8 =	simm.s32 $_size__tile_overlayer_lowered;
	s9 =	simm.s32 $_tile_overlayer_lowered  }
0x9e: {  	s23 =	simm.s32 $0x1BFF;
	s22 =	sshll.u32 s9, $0x1;
	s6 =	sadd.s32 s7, s20  }
0x9f: {  	s10 =	simm.s32 $0x0;
	s21 =	sshll.u32 s8, $0x1;
	s8 =	sadd.s32 s22, s6  }
0xa0: {  	[timem:s10], [sflag:s23] =	dma.local [hbm:s8], s21  }
0xa1: {  	_ =	swait.ge [sflag:s23], s21  }
0xa2: {  	s7 =	ssub.s32 $0x0, s21;
	[sflag:s23] =	ssyncset.done $0x0  }
0xa3: {  	[sflag:s23] =	ssyncadd.s32 s7;
	_ =	sdelay $0x1  }
0xa4: {  	s24 =	simm.s32 $0x1B8B  }
0xa5: {  	_ =	swait.ge [sflag:s24], $0x1  }
0xa6: {  	[sflag:s24] =	ssyncset.done $0x0  }
0xa7: {  	s25 =	simm.s32 $0x1B8E;
	[sflag:s24] =	ssyncadd.s32 $0xFFFFFFFF  }
0xa8: {  	s26 =	simm.s32 $execute0_lowered;
	[smem:$0x3FD2] =	sst s25  }
0xa9: {  	s7 =	sshll.u32 s26, $0x1;
	_ =	strace $0x80000046;
	[dreg:$0x1] =	wrdreg $0xFFFFFFFF  }
0xaa: {  	s28 =	simm.s32 $_size_execute0_lowered;
	s6 =	sadd.s32 s6, s7;
	[dreg:$0x0] =	wrdreg $0x0  }
0xab: {  	s7 =	sshll.u32 s28, $0x1;
	[dreg:$0x2] =	wrdreg s6  }
0xac: {  	[dreg:$0x3] =	wrdreg s7  }
0xad: {  	[dreg:$0x4] =	wrdreg $0xC0  }
0xae: {  	_ =	task [dreg:s10], $0x5FFFF  }
0xaf: {  	[dreg:$0x1] =	wrdreg $0xFFFFFFFF  }
0xb0: {  	[dreg:$0x0] =	wrdreg $0x60  }
0xb1: {  	[dreg:$0x2] =	wrdreg s2  }
0xb2: {  	[dreg:$0x3] =	wrdreg s19  }
0xb3: {  	[dreg:$0x4] =	wrdreg s4  }
0xb4: {  	[dreg:$0x5] =	wrdreg s5  }
0xb5: {  	[dreg:$0x6] =	wrdreg $0x9  }
0xb6: {  	_ =	task.clear_ibuf [dreg:s10], $0x7FFFF;
	_ =	strace $0x90000046  }
0xb7: {  	s29 =	simm.s32 $0x9;
	_ =	strace $0x80000048  }
0xb8: {  	_ =	swait.ge [sflag:s29], $0x1  }
0xb9: {  	[sflag:s29] =	ssyncadd.s32 $0xFFFFFFFF  }
0xba: {  	_ =	strace $0x90000048  }
0xbb: {  	_ =	sfence  }
0xbc: {  	s30 =	sld [smem:$0x0];
	_ =	sdelay $0x2  }
0xbd: {  	s31 =	sshll.u32 s1, $0xD;
	s1 =	sshrl.u32 s1, $0x2  }
0xbe: {  	s3 =	sand.u32 $0x4000, s31;
	s1 =	sadd.s32 s1, s30  }
0xbf: {  	s0 =	sor.u32 s3, s0;
	s1 =	sshll.u32 s1, $0x11  }
0xc0: {  	s0 =	sor.u32 s1, s0  }
0xc1: {  	s0 =	sadd.s32 $0x8F2B, s0  }
0xc2: {  	[sflag:s0] =	ssyncadd.remote.s32 $0x1  }
0xc3: {  	_ =	sfence.sel $0xFFFF  }
0xc4: {  	[dreg:$0x0] =	wrdreg $0xFFFFFFFF;
	(pc) =	sbr.abs _section_cstart, $3  }
0xc5: {  	[dreg:$0x1] =	wrdreg $0xFFFFFFFF  }
0xc6: {  	_ =	task.clear_ibuf [dreg:s10], $0x2FFFF;
	_ =	strace $0x9FFFFFFF  }
0xc7: {  	(tm) =	ssettm $0x7FFFFFFF  }
tec
execute0_lowered:
.L_overlay_start_1:
0x0: {  	(tag) =	ssettag $0x1  }
0x1: {  	s0 =	rddreg [dreg:$0x0]  }
0x2: {  	s1 =	rddreg [dreg:$0x1]  }
0x3: {  	s2 =	rddreg [dreg:$0x3]  }
0x4: {  	s3 =	srdreg.scid;
	s5 =	stileid.u32;
	s4 =	simm.s32 $0x0  }
0x5: {  	s9 =	simm.s32 $0x400;
	s11 =	simm.s32 $0xC00;
	s12 =	simm.s32 $0x4  }
0x6: {  	s13 =	simm.s32 $0x80;
	s30 =	simm.s32 $0x1980;
	s31 =	simm.s32 $0xA00  }
0x7: {  	s10 =	simm.s32 $0xB00;
	s14 =	simm.s32 $0x1B00;
	s15 =	simm.s32 $0xB80  }
0x8: {  	s16 =	simm.s32 $0x1B80;
	s17 =	simm.s32 $0x1C00;
	s18 =	simm.s32 $0xC80  }
0x9: {  	s19 =	simm.s32 $0x1C80;
	s20 =	simm.s32 $0x2080;
	s21 =	simm.s32 $0x1  }
0xa: {  	s22 =	simm.s32 $0x2;
	s23 =	simm.s32 $0x3;
	s24 =	simm.s32 $0x2000  }
0xb: {  	s25 =	simm.s32 $0x0;
	s3 =	sand.u32 $0x1, s3;
	s5 =	sshll.u32 s5, $0x1  }
0xc: {  	[smem:$0x7FF] =	sst s4;
	s6 =	sor.u32 s3, s5;
	s3 =	ssub.s32 $0x2, s3  }
0xd: {  	_ =	strace $0x80000047;
	s5 =	sshll.u32 s6, $0x7;
	s7 =	sshrl.u32 s3, $0x1  }
0xe: {  	s29 =	sshll.u32 s6, $0x4;
	s5 =	sadd.s32 s0, s5;
	s3 =	ssub.s32 s3, s7  }
0xf: {  	s7 =	sadd.s32 s2, s29;
	s0 =	simm.s32 $0x1A00;
	s2 =	simm.s32 $0xA80  }
0x10: {  	s6 =	sadd.s32 $0x3000, s5;
	s8 =	smax.u32 s3, $0x1;
	s3 =	simm.s32 $0x1A80  }
.LBB2_1:
0x11: {  	s26 =	simm.s32 $0x8000  }
0x12: {  	[tilespmem:s4], [sflag:$0x4] =	stream.strided.gather [hbm4b:s5+s9], $0xC00, s26, s9, $0x38;
	[tilespmem:$0x2100] =	vst v63  }
0x13: {  	_ = 	snop  }
0x14: {  	[tilespmem:s11], [sflag:$0x4] =	stream.linear.gather [hbm4b:s6+s4], $0x100, $0x38;
	[tilespmem:$0x2100] =	vst v63  }
0x15: {  	_ =	swait.ge [sflag:s12], $0xD00  }
0x16: {  	[sflag:s12] =	ssyncset.done $0x0  }
0x17: {  	s29 =	simm.s32 $0x1000;
	[sflag:s12] =	ssyncadd.s32 $0xFFFFF300  }
0x18: {  	[tilespmem:s29], [sflag:$0x1] =	stream.indirect.gather [hbm4b:s1+s13], $0x1, s4, s13, $0xb8;
	[tilespmem:$0x2100] =	vst v63  }
0x19: {  	s29 =	simm.s32 $0x1080  }
0x1a: {  	[tilespmem:s29], [sflag:$0x1] =	stream.indirect.gather [hbm4b:s1+s13], $0x1, s13, s13, $0xb8;
	[tilespmem:$0x2100] =	vst v63  }
0x1b: {  	s28 =	simm.s32 $0x1100;
	s29 =	simm.s32 $0x100  }
0x1c: {  	[tilespmem:s28], [sflag:$0x1] =	stream.indirect.gather [hbm4b:s1+s13], $0x1, s29, s13, $0xb8;
	[tilespmem:$0x2100] =	vst v63  }
0x1d: {  	s29 =	simm.s32 $0x180;
	s28 =	simm.s32 $0x1180  }
0x1e: {  	[tilespmem:s28], [sflag:$0x1] =	stream.indirect.gather [hbm4b:s1+s13], $0x1, s29, s13, $0xb8;
	[tilespmem:$0x2100] =	vst v63  }
0x1f: {  	s29 =	simm.s32 $0x200;
	s28 =	simm.s32 $0x1200  }
0x20: {  	[tilespmem:s28], [sflag:$0x1] =	stream.indirect.gather [hbm4b:s1+s13], $0x1, s29, s13, $0xb8;
	[tilespmem:$0x2100] =	vst v63  }
0x21: {  	s29 =	simm.s32 $0x280;
	s28 =	simm.s32 $0x1280  }
0x22: {  	[tilespmem:s28], [sflag:$0x1] =	stream.indirect.gather [hbm4b:s1+s13], $0x1, s29, s13, $0xb8;
	[tilespmem:$0x2100] =	vst v63  }
0x23: {  	s29 =	simm.s32 $0x300;
	s28 =	simm.s32 $0x1300  }
0x24: {  	[tilespmem:s28], [sflag:$0x1] =	stream.indirect.gather [hbm4b:s1+s13], $0x1, s29, s13, $0xb8;
	[tilespmem:$0x2100] =	vst v63  }
0x25: {  	s29 =	simm.s32 $0x380;
	s28 =	simm.s32 $0x1380  }
0x26: {  	[tilespmem:s28], [sflag:$0x1] =	stream.indirect.gather [hbm4b:s1+s13], $0x1, s29, s13, $0xb8;
	[tilespmem:$0x2100] =	vst v63  }
0x27: {  	s29 =	simm.s32 $0x1400  }
0x28: {  	[tilespmem:s29], [sflag:$0x1] =	stream.indirect.gather [hbm4b:s1+s13], $0x1, s9, s13, $0xb8;
	[tilespmem:$0x2100] =	vst v63  }
0x29: {  	s28 =	simm.s32 $0x1480;
	s29 =	simm.s32 $0x480  }
0x2a: {  	[tilespmem:s28], [sflag:$0x1] =	stream.indirect.gather [hbm4b:s1+s13], $0x1, s29, s13, $0xb8;
	[tilespmem:$0x2100] =	vst v63  }
0x2b: {  	s29 =	simm.s32 $0x500;
	s28 =	simm.s32 $0x1500  }
0x2c: {  	[tilespmem:s28], [sflag:$0x1] =	stream.indirect.gather [hbm4b:s1+s13], $0x1, s29, s13, $0xb8;
	[tilespmem:$0x2100] =	vst v63  }
0x2d: {  	s29 =	simm.s32 $0x580;
	s28 =	simm.s32 $0x1580  }
0x2e: {  	[tilespmem:s28], [sflag:$0x1] =	stream.indirect.gather [hbm4b:s1+s13], $0x1, s29, s13, $0xb8;
	[tilespmem:$0x2100] =	vst v63  }
0x2f: {  	s29 =	simm.s32 $0x600;
	s28 =	simm.s32 $0x1600  }
0x30: {  	[tilespmem:s28], [sflag:$0x1] =	stream.indirect.gather [hbm4b:s1+s13], $0x1, s29, s13, $0xb8;
	[tilespmem:$0x2100] =	vst v63  }
0x31: {  	s29 =	simm.s32 $0x680;
	s28 =	simm.s32 $0x1680  }
0x32: {  	[tilespmem:s28], [sflag:$0x2] =	stream.indirect.gather [hbm4b:s1+s13], $0x1, s29, s13, $0xb8;
	[tilespmem:$0x2100] =	vst v63  }
0x33: {  	s29 =	simm.s32 $0x700;
	s28 =	simm.s32 $0x1700  }
0x34: {  	[tilespmem:s28], [sflag:$0x2] =	stream.indirect.gather [hbm4b:s1+s13], $0x1, s29, s13, $0xb8;
	[tilespmem:$0x2100] =	vst v63  }
0x35: {  	s29 =	simm.s32 $0x780;
	s28 =	simm.s32 $0x1780  }
0x36: {  	[tilespmem:s28], [sflag:$0x2] =	stream.indirect.gather [hbm4b:s1+s13], $0x1, s29, s13, $0xb8;
	[tilespmem:$0x2100] =	vst v63  }
0x37: {  	s29 =	simm.s32 $0x800;
	s28 =	simm.s32 $0x1800  }
0x38: {  	[tilespmem:s28], [sflag:$0x2] =	stream.indirect.gather [hbm4b:s1+s13], $0x1, s29, s13, $0xb8;
	[tilespmem:$0x2100] =	vst v63  }
0x39: {  	s29 =	simm.s32 $0x880;
	s28 =	simm.s32 $0x1880  }
0x3a: {  	[tilespmem:s28], [sflag:$0x2] =	stream.indirect.gather [hbm4b:s1+s13], $0x1, s29, s13, $0xb8;
	[tilespmem:$0x2100] =	vst v63  }
0x3b: {  	s29 =	simm.s32 $0x900;
	s28 =	simm.s32 $0x1900  }
0x3c: {  	[tilespmem:s28], [sflag:$0x2] =	stream.indirect.gather [hbm4b:s1+s13], $0x1, s29, s13, $0xb8;
	[tilespmem:$0x2100] =	vst v63  }
0x3d: {  	s29 =	simm.s32 $0x980  }
0x3e: {  	[tilespmem:s30], [sflag:$0x2] =	stream.indirect.gather [hbm4b:s1+s13], $0x1, s29, s13, $0xb8;
	[tilespmem:$0x2100] =	vst v63  }
0x3f: {  	_ = 	snop  }
0x40: {  	[tilespmem:s0], [sflag:$0x2] =	stream.indirect.gather [hbm4b:s1+s13], $0x1, s31, s13, $0xb8;
	[tilespmem:$0x2100] =	vst v63  }
0x41: {  	_ = 	snop  }
0x42: {  	[tilespmem:s3], [sflag:$0x2] =	stream.indirect.gather [hbm4b:s1+s13], $0x1, s2, s13, $0xb8;
	[tilespmem:$0x2100] =	vst v63  }
0x43: {  	_ = 	snop  }
0x44: {  	[tilespmem:s14], [sflag:$0x2] =	stream.indirect.gather [hbm4b:s1+s13], $0x1, s10, s13, $0xb8;
	[tilespmem:$0x2100] =	vst v63  }
0x45: {  	_ = 	snop  }
0x46: {  	[tilespmem:s16], [sflag:$0x2] =	stream.indirect.gather [hbm4b:s1+s13], $0x1, s15, s13, $0xb8;
	[tilespmem:$0x2100] =	vst v63  }
0x47: {  	_ = 	snop  }
0x48: {  	[tilespmem:s17], [sflag:$0x2] =	stream.indirect.gather [hbm4b:s1+s13], $0x1, s11, s13, $0xb8;
	[tilespmem:$0x2100] =	vst v63  }
0x49: {  	_ = 	snop  }
0x4a: {  	[tilespmem:s19], [sflag:$0x2] =	stream.indirect.gather [hbm4b:s1+s13], $0x1, s18, s13, $0xb8;
	[tilespmem:$0x2100] =	vst v63  }
0x4b: {  	s29 =	rddreg [dreg:$0x2]  }
0x4c: {  	[tilespmem:s20], [sflag:$0x3] =	stream.linear.gather [hbm4b:s29+s4], $0x1, $0x38;
	[tilespmem:$0x2100] =	vst v63  }
0x4d: {  	_ =	swait.ge [sflag:s21], $0x80  }
0x4e: {  	[sflag:s21] =	ssyncset.done $0x0  }
0x4f: {  	[sflag:s21] =	ssyncadd.s32 $0xFFFFFF80  }
0x50: {  	_ =	swait.ge [sflag:s21], $0x80  }
0x51: {  	[sflag:s21] =	ssyncset.done $0x0  }
0x52: {  	[sflag:s21] =	ssyncadd.s32 $0xFFFFFF80  }
0x53: {  	_ =	swait.ge [sflag:s21], $0x80  }
0x54: {  	[sflag:s21] =	ssyncset.done $0x0  }
0x55: {  	[sflag:s21] =	ssyncadd.s32 $0xFFFFFF80  }
0x56: {  	_ =	swait.ge [sflag:s21], $0x80  }
0x57: {  	[sflag:s21] =	ssyncset.done $0x0  }
0x58: {  	[sflag:s21] =	ssyncadd.s32 $0xFFFFFF80  }
0x59: {  	_ =	swait.ge [sflag:s21], $0x80  }
0x5a: {  	[sflag:s21] =	ssyncset.done $0x0  }
0x5b: {  	[sflag:s21] =	ssyncadd.s32 $0xFFFFFF80  }
0x5c: {  	_ =	swait.ge [sflag:s21], $0x80  }
0x5d: {  	[sflag:s21] =	ssyncset.done $0x0  }
0x5e: {  	[sflag:s21] =	ssyncadd.s32 $0xFFFFFF80  }
0x5f: {  	_ =	swait.ge [sflag:s21], $0x80  }
0x60: {  	[sflag:s21] =	ssyncset.done $0x0  }
0x61: {  	[sflag:s21] =	ssyncadd.s32 $0xFFFFFF80  }
0x62: {  	_ =	swait.ge [sflag:s21], $0x80  }
0x63: {  	[sflag:s21] =	ssyncset.done $0x0  }
0x64: {  	[sflag:s21] =	ssyncadd.s32 $0xFFFFFF80  }
0x65: {  	_ =	swait.ge [sflag:s21], $0x80  }
0x66: {  	[sflag:s21] =	ssyncset.done $0x0  }
0x67: {  	[sflag:s21] =	ssyncadd.s32 $0xFFFFFF80  }
0x68: {  	_ =	swait.ge [sflag:s21], $0x80  }
0x69: {  	[sflag:s21] =	ssyncset.done $0x0  }
0x6a: {  	[sflag:s21] =	ssyncadd.s32 $0xFFFFFF80  }
0x6b: {  	_ =	swait.ge [sflag:s21], $0x80  }
0x6c: {  	[sflag:s21] =	ssyncset.done $0x0  }
0x6d: {  	[sflag:s21] =	ssyncadd.s32 $0xFFFFFF80  }
0x6e: {  	_ =	swait.ge [sflag:s21], $0x80  }
0x6f: {  	[sflag:s21] =	ssyncset.done $0x0  }
0x70: {  	[sflag:s21] =	ssyncadd.s32 $0xFFFFFF80  }
0x71: {  	_ =	swait.ge [sflag:s21], $0x80  }
0x72: {  	[sflag:s21] =	ssyncset.done $0x0  }
0x73: {  	s29 =	simm.s32 $0x0;
	[sflag:s21] =	ssyncadd.s32 $0xFFFFFF80  }
0x74: {  	v1 =	vld [tilespmem:s29+$0x1070]  }
0x75: {  	v2 =	vld [tilespmem:s29+$0x1000]  }
0x76: {  	v3 =	vld [tilespmem:s29+$0x1010]  }
0x77: {  	v9 =	vld [tilespmem:s29+$0x1020]  }
0x78: {  	v5 =	vld [tilespmem:s29+$0x1030]  }
0x79: {  	v0 =	vimm.f32 $0.0e+00;
	v4 =	vimm.f32 $0.0e+00;
	v6 =	vld [tilespmem:s29+$0x1040]  }
0x7a: {  	v10 =	vimm.f32 $0.0e+00;
	v7 =	vimm.f32 $0.0e+00;
	v11 =	vld [tilespmem:s29+$0x1050];
	v1 =	vadd.f32 v1, v0  }
0x7b: {  	v8 =	vimm.f32 $0.0e+00;
	s26 =	simm.s32 $0x80;
	s28 =	simm.s32 $0x400;
	v12 =	vld [tilespmem:s29+$0x1060];
	v2 =	vadd.f32 v2, v0;
	v3 =	vadd.f32 v3, v0  }
.LBB2_2:
0x7c: {  	p0 =	seq.s32 s28, $0x1800;
	v13 =	vld [tilespmem:s26+$0x1070];
	v0 =	vadd.f32 v9, v0  }
0x7d: {  	v14 =	vld [tilespmem:s26+$0x1000];
	v4 =	vadd.f32 v5, v4  }
0x7e: {  	v15 =	vld [tilespmem:s26+$0x1010];
	v10 =	vadd.f32 v6, v10  }
.Ltmp0:
0x7f: {  	v9 =	vld [tilespmem:s26+$0x1020];
	v7 =	vadd.f32 v11, v7;
	(pc) =	sbr.rel @!p0 .LBB2_2-.Ltmp0, $4  }
0x80: {  	v5 =	vld [tilespmem:s26+$0x1030];
	v8 =	vadd.f32 v12, v8  }
0x81: {  	v6 =	vld [tilespmem:s26+$0x1040];
	v1 =	vadd.f32 v13, v1  }
0x82: {  	v2 =	vadd.f32 v14, v2;
	v11 =	vld [tilespmem:s26+$0x1050]  }
0x83: {  	v3 =	vadd.f32 v15, v3;
	v12 =	vld [tilespmem:s26+$0x1060];
	s26 =	sshra.s32 s28, $0x2;
	s28 =	sadd.s32 $0x200, s28  }
0x84: {  	v13 =	vld [tilespmem:s26+$0x1070]  }
0x85: {  	v14 =	vld [tilespmem:s26+$0x1000]  }
0x86: {  	v15 =	vld [tilespmem:s26+$0x1010]  }
0x87: {  	v16 =	vld [tilespmem:s26+$0x1020]  }
0x88: {  	v17 =	vld [tilespmem:s26+$0x1030]  }
0x89: {  	v18 =	vld [tilespmem:s26+$0x1040]  }
0x8a: {  	v0 =	vadd.f32 v9, v0;
	v9 =	vld [tilespmem:s26+$0x1050]  }
0x8b: {  	v19 =	vld [tilespmem:s26+$0x1060];
	_ =	swait.ge [sflag:s22], $0x80  }
0x8c: {  	[sflag:s22] =	ssyncset.done $0x0  }
0x8d: {  	[sflag:s22] =	ssyncadd.s32 $0xFFFFFF80  }
0x8e: {  	_ =	swait.ge [sflag:s22], $0x80  }
0x8f: {  	[sflag:s22] =	ssyncset.done $0x0  }
0x90: {  	[sflag:s22] =	ssyncadd.s32 $0xFFFFFF80  }
0x91: {  	_ =	swait.ge [sflag:s22], $0x80  }
0x92: {  	[sflag:s22] =	ssyncset.done $0x0  }
0x93: {  	[sflag:s22] =	ssyncadd.s32 $0xFFFFFF80  }
0x94: {  	_ =	swait.ge [sflag:s22], $0x80  }
0x95: {  	[sflag:s22] =	ssyncset.done $0x0  }
0x96: {  	[sflag:s22] =	ssyncadd.s32 $0xFFFFFF80  }
0x97: {  	_ =	swait.ge [sflag:s22], $0x80  }
0x98: {  	[sflag:s22] =	ssyncset.done $0x0  }
0x99: {  	[sflag:s22] =	ssyncadd.s32 $0xFFFFFF80  }
0x9a: {  	_ =	swait.ge [sflag:s22], $0x80  }
0x9b: {  	[sflag:s22] =	ssyncset.done $0x0  }
0x9c: {  	[sflag:s22] =	ssyncadd.s32 $0xFFFFFF80  }
0x9d: {  	_ =	swait.ge [sflag:s22], $0x80  }
0x9e: {  	[sflag:s22] =	ssyncset.done $0x0  }
0x9f: {  	[sflag:s22] =	ssyncadd.s32 $0xFFFFFF80  }
0xa0: {  	_ =	swait.ge [sflag:s22], $0x80  }
0xa1: {  	[sflag:s22] =	ssyncset.done $0x0  }
0xa2: {  	[sflag:s22] =	ssyncadd.s32 $0xFFFFFF80  }
0xa3: {  	_ =	swait.ge [sflag:s22], $0x80  }
0xa4: {  	[sflag:s22] =	ssyncset.done $0x0  }
0xa5: {  	[sflag:s22] =	ssyncadd.s32 $0xFFFFFF80  }
0xa6: {  	_ =	swait.ge [sflag:s22], $0x80  }
0xa7: {  	[sflag:s22] =	ssyncset.done $0x0  }
0xa8: {  	[sflag:s22] =	ssyncadd.s32 $0xFFFFFF80  }
0xa9: {  	_ =	swait.ge [sflag:s22], $0x80  }
0xaa: {  	[sflag:s22] =	ssyncset.done $0x0  }
0xab: {  	[sflag:s22] =	ssyncadd.s32 $0xFFFFFF80  }
0xac: {  	_ =	swait.ge [sflag:s22], $0x80  }
0xad: {  	[sflag:s22] =	ssyncset.done $0x0  }
0xae: {  	[sflag:s22] =	ssyncadd.s32 $0xFFFFFF80  }
0xaf: {  	_ =	swait.ge [sflag:s22], $0x80  }
0xb0: {  	v4 =	vadd.f32 v5, v4;
	v11 =	vadd.f32 v11, v7;
	[sflag:s22] =	ssyncset.done $0x0  }
0xb1: {  	s29 =	simm.s32 $0x0;
	v7 =	vadd.f32 v14, v2;
	[sflag:s22] =	ssyncadd.s32 $0xFFFFFF80  }
0xb2: {  	v2 =	vadd.f32 v17, v4;
	v4 =	vadd.f32 v9, v11;
	v11 =	vld [tilespmem:s29+$0x16F0]  }
0xb3: {  	v8 =	vadd.f32 v12, v8;
	v12 =	vld [tilespmem:s29+$0x1680]  }
0xb4: {  	v10 =	vadd.f32 v6, v10;
	v5 =	vadd.f32 v13, v1;
	v13 =	vld [tilespmem:s29+$0x1690]  }
0xb5: {  	v1 =	vadd.f32 v16, v0;
	v0 =	vadd.f32 v19, v8;
	v8 =	vld [tilespmem:s29+$0x16A0]  }
0xb6: {  	v9 =	vld [tilespmem:s29+$0x16B0]  }
0xb7: {  	v6 =	vadd.f32 v15, v3;
	v3 =	vadd.f32 v18, v10;
	v10 =	vld [tilespmem:s29+$0x16C0]  }
0xb8: {  	v5 =	vadd.f32 v11, v5;
	v11 =	vld [tilespmem:s29+$0x16D0]  }
0xb9: {  	s26 =	simm.s32 $0x80;
	s28 =	simm.s32 $0x400;
	v7 =	vadd.f32 v12, v7;
	v6 =	vadd.f32 v13, v6;
	v12 =	vld [tilespmem:s29+$0x16E0]  }
.LBB2_4:
0xba: {  	p0 =	sne.s32 s28, $0x1800;
	v13 =	vld [tilespmem:s26+$0x16F0];
	v1 =	vadd.f32 v8, v1  }
0xbb: {  	v14 =	vld [tilespmem:s26+$0x1680];
	v2 =	vadd.f32 v9, v2  }
0xbc: {  	v15 =	vld [tilespmem:s26+$0x1690];
	v3 =	vadd.f32 v10, v3  }
.Ltmp1:
0xbd: {  	v8 =	vld [tilespmem:s26+$0x16A0];
	v4 =	vadd.f32 v11, v4;
	(pc) =	sbr.rel @p0 .LBB2_4-.Ltmp1, $4  }
0xbe: {  	v9 =	vld [tilespmem:s26+$0x16B0];
	v0 =	vadd.f32 v12, v0  }
0xbf: {  	v10 =	vld [tilespmem:s26+$0x16C0];
	v5 =	vadd.f32 v13, v5  }
0xc0: {  	v7 =	vadd.f32 v14, v7;
	v11 =	vld [tilespmem:s26+$0x16D0]  }
0xc1: {  	v6 =	vadd.f32 v15, v6;
	v12 =	vld [tilespmem:s26+$0x16E0];
	s26 =	sshra.s32 s28, $0x2;
	s28 =	sadd.s32 $0x200, s28  }
0xc2: {  	v13 =	vld [tilespmem:s26+$0x16F0]  }
0xc3: {  	v14 =	vld [tilespmem:s26+$0x1680]  }
0xc4: {  	v15 =	vld [tilespmem:s26+$0x1690]  }
0xc5: {  	v16 =	vld [tilespmem:s26+$0x16A0]  }
0xc6: {  	v17 =	vld [tilespmem:s26+$0x16B0]  }
0xc7: {  	v18 =	vld [tilespmem:s26+$0x16C0]  }
0xc8: {  	v19 =	vld [tilespmem:s26+$0x16D0]  }
0xc9: {  	v20 =	vld [tilespmem:s26+$0x16E0];
	_ =	swait.ge [sflag:s23], $0x1  }
0xca: {  	[sflag:s23] =	ssyncset.done $0x0  }
0xcb: {  	[sflag:s23] =	ssyncadd.s32 $0xFFFFFFFF  }
0xcc: {  	v21 =	vld.msk [tilespmem:$0x2080 ss:$0x0], $0xffff  }
0xcd: {  	v1 =	vadd.f32 v8, v1  }
0xce: {  	v2 =	vadd.f32 v9, v2;
	v3 =	vadd.f32 v10, v3  }
0xcf: {  	v4 =	vadd.f32 v11, v4;
	v7 =	vadd.f32 v14, v7  }
0xd0: {  	v0 =	vadd.f32 v12, v0;
	v6 =	vadd.f32 v15, v6  }
0xd1: {  	v1 =	vadd.f32 v16, v1;
	v7 =	vadd.f32 v21, v7  }
0xd2: {  	v2 =	vadd.f32 v17, v2;
	v6 =	vadd.f32 v21, v6  }
0xd3: {  	v3 =	vadd.f32 v18, v3;
	v1 =	vadd.f32 v21, v1;
	[tilespmem:$0x2000] =	vst v7  }
0xd4: {  	v4 =	vadd.f32 v19, v4;
	v2 =	vadd.f32 v21, v2;
	[tilespmem:$0x2010] =	vst v6  }
0xd5: {  	v0 =	vadd.f32 v20, v0;
	v60 =	vadd.f32 v21, v3;
	[tilespmem:$0x2020] =	vst v1  }
0xd6: {  	v61 =	vadd.f32 v13, v5;
	v62 =	vadd.f32 v21, v4;
	[tilespmem:$0x2030] =	vst v2  }
0xd7: {  	v0 =	vadd.f32 v21, v0;
	[tilespmem:$0x2040] =	vst v60  }
0xd8: {  	s25 =	sadd.s32 $0x1, s25;
	v63 =	vadd.f32 v21, v61;
	[tilespmem:$0x2050] =	vst v62  }
0xd9: {  	p0 =	sne.s32 s25, s8;
	[tilespmem:$0x2060] =	vst v0  }
.Ltmp2:
0xda: {  	[tilespmem:$0x2070] =	vst v63;
	(pc) =	sbr.rel @p0 .LBB2_1-.Ltmp2, $4  }
0xdb: {  	[hbm4b:s7+s4] =	stream.linear.scatter [tilespmem:s24], [sflag:$0x4], $0x80, $0x38;
	[tilespmem:$0x2100] =	vst v63  }
0xdc: {  	_ =	swait.ge [sflag:s12], $0x80  }
0xdd: {  	[sflag:s12] =	ssyncset.done $0x0  }
0xde: {  	[sflag:s12] =	ssyncadd.s32 $0xFFFFFF80  }
0xdf: {  	_ =	sfence.sel $0x180000  }
0xe0: {  	[bflag:$0x0] =	sbarrier.arrive $0xFFFF  }
0xe1: {  	_ =	strace $0x90000047  }
0xe2: {  	s0 =	stileid.u32;
	[bflag:$0x2] =	sbarrier.arrive $0xFFFF  }
0xe3: {  	p0 =	sne.s32 s0, $0x0;
	s0 =	rddreg [dreg:$0x4]  }
0xe4: {  	s0 =	sadd.s32 @!p0 $0x100000, s0  }
0xe5: {  	[sflag:s0] =	ssyncadd.tile.s32 @!p0 $0x1;
	_ =	shalt  }
.Lfunc_end2:
_tile_overlayer_lowered:
.L_overlay_start_2:
0xe6: {  	(tag) =	ssettag $0x2  }
0xe7: {  	s0 =	rddreg [dreg:$0x0];
	s2 =	stileid.u32  }
0xe8: {  	s1 =	rddreg [dreg:$0x1];
	p0 =	sne.s32 s2, $0x0  }
0xe9: {  	s3 =	rddreg [dreg:$0x2];
	[bflag:$0x3] =	sbarrier.arrive $0xFFFF;
	s2 =	simm.s32 @!p0 $0x1C04  }
0xea: {  	[timem:s3], [sflag:s2] =	dma.local @!p0 [hbm:s0], s1  }
0xeb: {  	s0 =	simm.s32 @!p0 $0x4  }
0xec: {  	_ =	swait.ge @!p0 [sflag:s0], s1  }
0xed: {  	s1 =	ssub.s32 @!p0 $0x0, s1;
	[sflag:s0] =	ssyncset.done @!p0 $0x0  }
0xee: {  	[sflag:s0] =	ssyncadd.s32 @!p0 s1  }
0xef: {  	[bflag:$0x3] =	sbarrier.arrive $0xFFFF  }
0xf0: {  	_ =	shalt  }

</sc_bundles>
